<compile_context>
chip_gen: v7x
topology: tpu7x:2x2x1
jax: 0.10.2.dev20260603
libtpu: 0.0.44.dev20260713+nightly
codegen_flags: <defaults>
</compile_context>

<pallas_src>
import functools

import jax
import jax.numpy as jnp
from jax import lax
from jax.experimental import pallas as pl
from jax.experimental.pallas import tpu as pltpu
from jax.experimental.pallas import tpu_sc as plsc


@functools.lru_cache(maxsize=None)
def _build_sc_kernel(n: int, m: int):
    info = plsc.get_sparse_core_info()
    num_cores, num_subcores, lanes = (
        info.num_cores,
        info.num_subcores,
        info.num_lanes,
    )
    num_workers = num_cores * num_subcores
    n_per_w = n // num_workers
    m_per_t = m // num_subcores
    idx_rows = m_per_t // 128
    half = n_per_w // 2
    assert n % num_workers == 0 and n_per_w % (2 * lanes) == 0
    assert m % num_subcores == 0 and m_per_t % 128 == 0

    mesh = plsc.VectorSubcoreMesh(core_axis_name="c", subcore_axis_name="s")

    @functools.partial(
        pl.kernel,
        mesh=mesh,
        out_type=jax.ShapeDtypeStruct((n,), jnp.int32),
        compiler_params=pltpu.CompilerParams(needs_layout_passes=False),
        scratch_types=[
            pltpu.VMEM((idx_rows, 128), jnp.int32),
            pltpu.VMEM((m_per_t,), jnp.int32),
            pltpu.VMEM_SHARED((m,), jnp.int32),
            pltpu.VMEM((m,), jnp.int32),
            pltpu.VMEM((n_per_w,), jnp.int32),
            pltpu.VMEM((n_per_w,), jnp.int32),
            pltpu.SemaphoreType.DMA,
            pltpu.SemaphoreType.DMA,
        ],
    )
    def sc_kernel(
        tensor_hbm,
        mapping_hbm,
        out_hbm,
        mapc_v,
        vals_v,
        inv_sh,
        inv_v,
        t_v,
        o_v,
        sem0,
        sem1,
    ):
        sid = lax.axis_index("s")
        wid = sid * num_cores + lax.axis_index("c")
        base = wid * n_per_w

        t_cp = pltpu.async_copy(tensor_hbm.at[pl.ds(base, n_per_w)], t_v, sem1)
        map_cp = pltpu.async_copy(
            mapping_hbm.at[pl.ds(sid * idx_rows, idx_rows)], mapc_v, sem0
        )

        val_base = sid * m_per_t

        @plsc.parallel_loop(0, m_per_t // lanes, unroll=16)
        def mkvals(q):
            vals_v[pl.ds(q * lanes, lanes)] = (
                lax.iota(jnp.int32, lanes) + (val_base + q * lanes)
            )

        map_cp.wait()
        scatter_cps = [
            pltpu.async_copy(
                vals_v.at[pl.ds(j * 128, 128)],
                inv_sh.at[mapc_v.at[j]],
                sem0,
            )
            for j in range(idx_rows)
        ]
        for cp in scatter_cps:
            cp.wait()
        plsc.subcore_barrier()

        inv_cp = pltpu.async_copy(inv_sh, inv_v, sem0)
        t_cp.wait()
        inv_cp.wait()

        @plsc.parallel_loop(0, half // lanes, unroll=8)
        def resolve_lo(i):
            idx = t_v[pl.ds(i * lanes, lanes)]
            o_v[pl.ds(i * lanes, lanes)] = plsc.load_gather(inv_v, [idx])

        out_lo_cp = pltpu.async_copy(
            o_v.at[pl.ds(0, half)], out_hbm.at[pl.ds(base, half)], sem1
        )

        @plsc.parallel_loop(half // lanes, n_per_w // lanes, unroll=8)
        def resolve_hi(i):
            idx = t_v[pl.ds(i * lanes, lanes)]
            o_v[pl.ds(i * lanes, lanes)] = plsc.load_gather(inv_v, [idx])

        out_lo_cp.wait()
        pltpu.sync_copy(
            o_v.at[pl.ds(half, half)], out_hbm.at[pl.ds(base + half, half)]
        )

    return sc_kernel


def kernel(tensor, mapping):
    n = tensor.shape[0]
    m = mapping.shape[0]
    out = _build_sc_kernel(n, m)(
        tensor.astype(jnp.int32),
        mapping.astype(jnp.int32).reshape(m // 128, 128),
    )
    return out.astype(tensor.dtype)

# --- scband reference (transcript-rebuilt; emitter-appended) ---
"""Pipeline reference for scband-my-model-61933428409288 (READ-ONLY COPY).

The authoritative reference and input builder live on the scoring server;
editing this copy changes nothing except your own understanding.
"""

import jax, jax.numpy as jnp
import numpy as np

N = 65536
M = 4096

def setup_inputs(seed: int = 0) -> dict:
    key = jax.random.key(seed)
    k1, _ = jax.random.split(key)
    tensor = jax.random.randint(k1, (N,), 0, M)          # int values in [0, M)
    mapping = jnp.arange(M)                               # distinct keys -> exactly one match per tensor element
    return {"tensor": tensor, "mapping": mapping}

def reference(tensor, mapping):
    # torch.meshgrid(mapping, tensor, indexing='ij'): xx[i,j]=mapping[i], yy[i,j]=tensor[j]
    condition = mapping[:, None] == tensor[None, :]       # [M, N] bool
    indices = jnp.argwhere(condition, size=tensor.shape[0])  # [nnz, 2] rows (i, j); nnz == N exactly
    mapped_values = jnp.zeros_like(tensor)
    # torch: mapped_values[indices[:,1]] = indices[:,0]  (scatter-overwrite)
    mapped_values = mapped_values.at[indices[:, 1]].set(indices[:, 0].astype(mapped_values.dtype))
    return mapped_values

if __name__ == "__main__":
    import jax
    _d = setup_inputs()
    print(jax.jit(kernel)(*tuple(_d.values())))

</pallas_src>

<mosaic_0001>
#map = affine_map<(d0, d1) -> (0)>
#map1 = affine_map<(d0, d1) -> (0, 0)>
module attributes {stable_mosaic.version = 14 : i64} {
  func.func @sc_kernel(%arg0: i32, %arg1: i32, %arg2: memref<65536xi32, #tpu.memory_space<hbm>>, %arg3: memref<32x128xi32, #tpu.memory_space<hbm>>, %arg4: memref<65536xi32, #tpu.memory_space<hbm>>, %arg5: memref<2x128xi32, #tpu.memory_space<vmem>>, %arg6: memref<256xi32, #tpu.memory_space<vmem>>, %arg7: memref<4096xi32, #tpu.memory_space<vmem_shared>>, %arg8: memref<4096xi32, #tpu.memory_space<vmem>>, %arg9: memref<2048xi32, #tpu.memory_space<vmem>>, %arg10: memref<2048xi32, #tpu.memory_space<vmem>>, %arg11: memref<!tpu.dma_semaphore, #tpu.memory_space<semaphore_mem>>, %arg12: memref<!tpu.dma_semaphore, #tpu.memory_space<semaphore_mem>>) attributes {dimension_semantics = [#tpu.dimension_semantics<core_parallel>, #tpu.dimension_semantics<subcore_parallel>], iteration_bounds = array<i64: 2, 16>, scalar_prefetch = 0 : i64, scratch_operands = 8 : i64, tpu.core_type = #tpu.core_type<sc_vector_subcore>, window_params = [{transform_indices = #map}, {transform_indices = #map1}, {transform_indices = #map}]} {
    %mul3A = arith.constant 2 : i32
    %mul3A_0 = arith.muli %arg1, %mul3A : i32
    %add3A = arith.addi %mul3A_0, %arg0 : i32
    %mul3A_1 = arith.constant 2048 : i32
    %mul3A_2 = arith.muli %add3A, %mul3A_1 : i32
    %dma_start3A = tpu.memref_slice %arg2[%mul3A_2] : memref<65536xi32, #tpu.memory_space<hbm>> -> memref<2048xi32, #tpu.memory_space<hbm>>
    %dma_start3A_3 = tpu.memref_slice %arg2[%mul3A_2] : memref<65536xi32, #tpu.memory_space<hbm>> -> memref<2048xi32, #tpu.memory_space<hbm>>
    tpu.enqueue_dma source(%dma_start3A_3 : memref<2048xi32, #tpu.memory_space<hbm>>) target(%arg9 : memref<2048xi32, #tpu.memory_space<vmem>>) target_semaphore(%arg12 : memref<!tpu.dma_semaphore, #tpu.memory_space<semaphore_mem>>)
    %mul3A_4 = arith.constant 2 : i32
    %mul3A_5 = arith.muli %arg1, %mul3A_4 : i32
    %dma_start3A_6 = arith.constant 0 : i32
    %dma_start3A_7 = tpu.memref_slice %arg3[%mul3A_5, %dma_start3A_6] : memref<32x128xi32, #tpu.memory_space<hbm>> -> memref<2x128xi32, #tpu.memory_space<hbm>>
    %dma_start3A_8 = arith.constant 0 : i32
    %dma_start3A_9 = tpu.memref_slice %arg3[%mul3A_5, %dma_start3A_8] : memref<32x128xi32, #tpu.memory_space<hbm>> -> memref<2x128xi32, #tpu.memory_space<hbm>>
    tpu.enqueue_dma source(%dma_start3A_9 : memref<2x128xi32, #tpu.memory_space<hbm>>) target(%arg5 : memref<2x128xi32, #tpu.memory_space<vmem>>) target_semaphore(%arg11 : memref<!tpu.dma_semaphore, #tpu.memory_space<semaphore_mem>>)
    %mul3A_10 = arith.constant 256 : i32
    %mul3A_11 = arith.muli %arg1, %mul3A_10 : i32
    %parallel_loop3A = arith.constant 0 : i32
    %parallel_loop3A_12 = arith.constant 16 : i32
    %parallel_loop3A_13 = arith.constant 1 : i32
    scf.for %parallel_loop3A_71 = %parallel_loop3A to %parallel_loop3A_12 step %parallel_loop3A_13  : i32 {
      %parallel_loop3A_72 = tpu.iota {dimensions = array<i32: 0>} : vector<16xi32>
      %parallel_loop3A_73 = arith.constant 16 : i32
      %parallel_loop3A_74 = arith.muli %parallel_loop3A_71, %parallel_loop3A_73 : i32
      %parallel_loop3A_75 = arith.addi %mul3A_11, %parallel_loop3A_74 : i32
      %parallel_loop3A_76 = vector.broadcast %parallel_loop3A_75 : i32 to vector<16xi32>
      %parallel_loop3A_77 = arith.addi %parallel_loop3A_72, %parallel_loop3A_76 : vector<16xi32>
      %parallel_loop3A_78 = arith.constant 16 : i32
      %parallel_loop3A_79 = arith.muli %parallel_loop3A_71, %parallel_loop3A_78 : i32
      %parallel_loop3A_80 = arith.index_cast %parallel_loop3A_79 : i32 to index
      %parallel_loop3A_81 = tpu.vector_load %arg6[%parallel_loop3A_80] {strides = array<i32>} : memref<256xi32, #tpu.memory_space<vmem>>, vector<16xi32>,
      tpu.vector_store %arg6[%parallel_loop3A_80], %parallel_loop3A_77 {strides = array<i32>} : memref<256xi32, #tpu.memory_space<vmem>>, vector<16xi32>,
    } {sc.loop_unroll_factor = 16 : i64, sc.parallel_access}
    %dma_wait3A = arith.constant 0 : i32
    %dma_wait3A_14 = tpu.memref_slice %arg3[%mul3A_5, %dma_wait3A] : memref<32x128xi32, #tpu.memory_space<hbm>> -> memref<2x128xi32, #tpu.memory_space<hbm>>
    %dma_wait3A_15 = arith.constant 0 : i32
    %dma_wait3A_16 = tpu.memref_slice %arg3[%mul3A_5, %dma_wait3A_15] : memref<32x128xi32, #tpu.memory_space<hbm>> -> memref<2x128xi32, #tpu.memory_space<hbm>>
    tpu.wait_dma2 semaphore(%arg11 : memref<!tpu.dma_semaphore, #tpu.memory_space<semaphore_mem>>) src(%dma_wait3A_16 : memref<2x128xi32, #tpu.memory_space<hbm>>) dst(%arg5 : memref<2x128xi32, #tpu.memory_space<vmem>>)
    %dma_start3A_17 = arith.constant 0 : i32
    %dma_start3A_18 = arith.constant 0 : i32
    %dma_start3A_19 = tpu.memref_slice %arg6[%dma_start3A_18] : memref<256xi32, #tpu.memory_space<vmem>> -> memref<128xi32, #tpu.memory_space<vmem>>
    %dma_start3A_20 = arith.constant 0 : i32
    %dma_start3A_21 = tpu.memref_slice %arg5[%dma_start3A_17, %dma_start3A_20] : memref<2x128xi32, #tpu.memory_space<vmem>> -> memref<1x128xi32, #tpu.memory_space<vmem>>
    %dma_start3A_22 = tpu.memref_squeeze %dma_start3A_21 : memref<1x128xi32, #tpu.memory_space<vmem>> -> memref<128xi32, #tpu.memory_space<vmem>>
    %dma_start3A_23 = arith.constant 0 : i32
    %dma_start3A_24 = tpu.memref_slice %arg7[%dma_start3A_23] : memref<4096xi32, #tpu.memory_space<vmem_shared>> -> memref<4096xi32, #tpu.memory_space<vmem_shared>>
    tpu.enqueue_indirect_dma source(%dma_start3A_19 : memref<128xi32, #tpu.memory_space<vmem>>) target(%dma_start3A_24 : memref<4096xi32, #tpu.memory_space<vmem_shared>>) offsets(%dma_start3A_22 : memref<128xi32, #tpu.memory_space<vmem>>) semaphore(%arg11 : memref<!tpu.dma_semaphore, #tpu.memory_space<semaphore_mem>>)
    %dma_start3A_25 = arith.constant 1 : i32
    %dma_start3A_26 = arith.constant 128 : i32
    %dma_start3A_27 = tpu.memref_slice %arg6[%dma_start3A_26] : memref<256xi32, #tpu.memory_space<vmem>> -> memref<128xi32, #tpu.memory_space<vmem>>
    %dma_start3A_28 = arith.constant 0 : i32
    %dma_start3A_29 = tpu.memref_slice %arg5[%dma_start3A_25, %dma_start3A_28] : memref<2x128xi32, #tpu.memory_space<vmem>> -> memref<1x128xi32, #tpu.memory_space<vmem>>
    %dma_start3A_30 = tpu.memref_squeeze %dma_start3A_29 : memref<1x128xi32, #tpu.memory_space<vmem>> -> memref<128xi32, #tpu.memory_space<vmem>>
    %dma_start3A_31 = arith.constant 0 : i32
    %dma_start3A_32 = tpu.memref_slice %arg7[%dma_start3A_31] : memref<4096xi32, #tpu.memory_space<vmem_shared>> -> memref<4096xi32, #tpu.memory_space<vmem_shared>>
    tpu.enqueue_indirect_dma source(%dma_start3A_27 : memref<128xi32, #tpu.memory_space<vmem>>) target(%dma_start3A_32 : memref<4096xi32, #tpu.memory_space<vmem_shared>>) offsets(%dma_start3A_30 : memref<128xi32, #tpu.memory_space<vmem>>) semaphore(%arg11 : memref<!tpu.dma_semaphore, #tpu.memory_space<semaphore_mem>>)
    %dma_wait3A_33 = arith.constant 0 : i32
    %dma_wait3A_34 = arith.constant 0 : i32
    %dma_wait3A_35 = tpu.memref_slice %arg6[%dma_wait3A_34] : memref<256xi32, #tpu.memory_space<vmem>> -> memref<128xi32, #tpu.memory_space<vmem>>
    %dma_wait3A_36 = arith.constant 0 : i32
    %dma_wait3A_37 = tpu.memref_slice %arg5[%dma_wait3A_33, %dma_wait3A_36] : memref<2x128xi32, #tpu.memory_space<vmem>> -> memref<1x128xi32, #tpu.memory_space<vmem>>
    %dma_wait3A_38 = tpu.memref_squeeze %dma_wait3A_37 : memref<1x128xi32, #tpu.memory_space<vmem>> -> memref<128xi32, #tpu.memory_space<vmem>>
    %dma_wait3A_39 = arith.constant 0 : i32
    %dma_wait3A_40 = tpu.memref_slice %arg7[%dma_wait3A_39] : memref<4096xi32, #tpu.memory_space<vmem_shared>> -> memref<4096xi32, #tpu.memory_space<vmem_shared>>
    tpu.wait_indirect_dma semaphore(%arg11 : memref<!tpu.dma_semaphore, #tpu.memory_space<semaphore_mem>>) src(%dma_wait3A_35 : memref<128xi32, #tpu.memory_space<vmem>>) dst(%dma_wait3A_40 : memref<4096xi32, #tpu.memory_space<vmem_shared>>)
    %dma_wait3A_41 = arith.constant 1 : i32
    %dma_wait3A_42 = arith.constant 128 : i32
    %dma_wait3A_43 = tpu.memref_slice %arg6[%dma_wait3A_42] : memref<256xi32, #tpu.memory_space<vmem>> -> memref<128xi32, #tpu.memory_space<vmem>>
    %dma_wait3A_44 = arith.constant 0 : i32
    %dma_wait3A_45 = tpu.memref_slice %arg5[%dma_wait3A_41, %dma_wait3A_44] : memref<2x128xi32, #tpu.memory_space<vmem>> -> memref<1x128xi32, #tpu.memory_space<vmem>>
    %dma_wait3A_46 = tpu.memref_squeeze %dma_wait3A_45 : memref<1x128xi32, #tpu.memory_space<vmem>> -> memref<128xi32, #tpu.memory_space<vmem>>
    %dma_wait3A_47 = arith.constant 0 : i32
    %dma_wait3A_48 = tpu.memref_slice %arg7[%dma_wait3A_47] : memref<4096xi32, #tpu.memory_space<vmem_shared>> -> memref<4096xi32, #tpu.memory_space<vmem_shared>>
    tpu.wait_indirect_dma semaphore(%arg11 : memref<!tpu.dma_semaphore, #tpu.memory_space<semaphore_mem>>) src(%dma_wait3A_43 : memref<128xi32, #tpu.memory_space<vmem>>) dst(%dma_wait3A_48 : memref<4096xi32, #tpu.memory_space<vmem_shared>>)
    %barrier3A = arith.constant 0 : index
    tpu.barrier barrier_id(%barrier3A)
    tpu.enqueue_dma source(%arg7 : memref<4096xi32, #tpu.memory_space<vmem_shared>>) target(%arg8 : memref<4096xi32, #tpu.memory_space<vmem>>) target_semaphore(%arg11 : memref<!tpu.dma_semaphore, #tpu.memory_space<semaphore_mem>>)
    %dma_wait3A_49 = tpu.memref_slice %arg2[%mul3A_2] : memref<65536xi32, #tpu.memory_space<hbm>> -> memref<2048xi32, #tpu.memory_space<hbm>>
    %dma_wait3A_50 = tpu.memref_slice %arg2[%mul3A_2] : memref<65536xi32, #tpu.memory_space<hbm>> -> memref<2048xi32, #tpu.memory_space<hbm>>
    tpu.wait_dma2 semaphore(%arg12 : memref<!tpu.dma_semaphore, #tpu.memory_space<semaphore_mem>>) src(%dma_wait3A_50 : memref<2048xi32, #tpu.memory_space<hbm>>) dst(%arg9 : memref<2048xi32, #tpu.memory_space<vmem>>)
    tpu.wait_dma2 semaphore(%arg11 : memref<!tpu.dma_semaphore, #tpu.memory_space<semaphore_mem>>) src(%arg7 : memref<4096xi32, #tpu.memory_space<vmem_shared>>) dst(%arg8 : memref<4096xi32, #tpu.memory_space<vmem>>)
    %parallel_loop3A_51 = arith.constant 0 : i32
    %parallel_loop3A_52 = arith.constant 64 : i32
    %parallel_loop3A_53 = arith.constant 1 : i32
    scf.for %parallel_loop3A_71 = %parallel_loop3A_51 to %parallel_loop3A_52 step %parallel_loop3A_53  : i32 {
      %parallel_loop3A_72 = arith.constant 16 : i32
      %parallel_loop3A_73 = arith.muli %parallel_loop3A_71, %parallel_loop3A_72 : i32
      %parallel_loop3A_74 = arith.index_cast %parallel_loop3A_73 : i32 to index
      %parallel_loop3A_75 = tpu.vector_load %arg9[%parallel_loop3A_74] {strides = array<i32>} : memref<2048xi32, #tpu.memory_space<vmem>>, vector<16xi32>,
      %parallel_loop3A_76 = tpu.vector_load_idx %arg8[%parallel_loop3A_75] : memref<4096xi32, #tpu.memory_space<vmem>>[vector<16xi32>], vector<16xi32>,
      %parallel_loop3A_77 = arith.constant 16 : i32
      %parallel_loop3A_78 = arith.muli %parallel_loop3A_71, %parallel_loop3A_77 : i32
      %parallel_loop3A_79 = arith.index_cast %parallel_loop3A_78 : i32 to index
      %parallel_loop3A_80 = tpu.vector_load %arg10[%parallel_loop3A_79] {strides = array<i32>} : memref<2048xi32, #tpu.memory_space<vmem>>, vector<16xi32>,
      tpu.vector_store %arg10[%parallel_loop3A_79], %parallel_loop3A_76 {strides = array<i32>} : memref<2048xi32, #tpu.memory_space<vmem>>, vector<16xi32>,
    } {sc.loop_unroll_factor = 8 : i64, sc.parallel_access}
    %dma_start3A_54 = arith.constant 0 : i32
    %dma_start3A_55 = tpu.memref_slice %arg10[%dma_start3A_54] : memref<2048xi32, #tpu.memory_space<vmem>> -> memref<1024xi32, #tpu.memory_space<vmem>>
    %dma_start3A_56 = tpu.memref_slice %arg4[%mul3A_2] : memref<65536xi32, #tpu.memory_space<hbm>> -> memref<1024xi32, #tpu.memory_space<hbm>>
    %dma_start3A_57 = tpu.memref_slice %arg4[%mul3A_2] : memref<65536xi32, #tpu.memory_space<hbm>> -> memref<1024xi32, #tpu.memory_space<hbm>>
    %dma_start3A_58 = arith.constant 0 : i32
    %dma_start3A_59 = tpu.memref_slice %arg10[%dma_start3A_58] : memref<2048xi32, #tpu.memory_space<vmem>> -> memref<1024xi32, #tpu.memory_space<vmem>>
    tpu.enqueue_dma source(%dma_start3A_59 : memref<1024xi32, #tpu.memory_space<vmem>>) target(%dma_start3A_57 : memref<1024xi32, #tpu.memory_space<hbm>>) target_semaphore(%arg12 : memref<!tpu.dma_semaphore, #tpu.memory_space<semaphore_mem>>)
    %parallel_loop3A_60 = arith.constant 64 : i32
    %parallel_loop3A_61 = arith.constant 128 : i32
    %parallel_loop3A_62 = arith.constant 1 : i32
    scf.for %parallel_loop3A_71 = %parallel_loop3A_60 to %parallel_loop3A_61 step %parallel_loop3A_62  : i32 {
      %parallel_loop3A_72 = arith.constant 16 : i32
      %parallel_loop3A_73 = arith.muli %parallel_loop3A_71, %parallel_loop3A_72 : i32
      %parallel_loop3A_74 = arith.index_cast %parallel_loop3A_73 : i32 to index
      %parallel_loop3A_75 = tpu.vector_load %arg9[%parallel_loop3A_74] {strides = array<i32>} : memref<2048xi32, #tpu.memory_space<vmem>>, vector<16xi32>,
      %parallel_loop3A_76 = tpu.vector_load_idx %arg8[%parallel_loop3A_75] : memref<4096xi32, #tpu.memory_space<vmem>>[vector<16xi32>], vector<16xi32>,
      %parallel_loop3A_77 = arith.constant 16 : i32
      %parallel_loop3A_78 = arith.muli %parallel_loop3A_71, %parallel_loop3A_77 : i32
      %parallel_loop3A_79 = arith.index_cast %parallel_loop3A_78 : i32 to index
      %parallel_loop3A_80 = tpu.vector_load %arg10[%parallel_loop3A_79] {strides = array<i32>} : memref<2048xi32, #tpu.memory_space<vmem>>, vector<16xi32>,
      tpu.vector_store %arg10[%parallel_loop3A_79], %parallel_loop3A_76 {strides = array<i32>} : memref<2048xi32, #tpu.memory_space<vmem>>, vector<16xi32>,
    } {sc.loop_unroll_factor = 8 : i64, sc.parallel_access}
    %dma_wait3A_63 = arith.constant 0 : i32
    %dma_wait3A_64 = tpu.memref_slice %arg10[%dma_wait3A_63] : memref<2048xi32, #tpu.memory_space<vmem>> -> memref<1024xi32, #tpu.memory_space<vmem>>
    %dma_wait3A_65 = tpu.memref_slice %arg4[%mul3A_2] : memref<65536xi32, #tpu.memory_space<hbm>> -> memref<1024xi32, #tpu.memory_space<hbm>>
    %dma_wait3A_66 = tpu.memref_slice %arg4[%mul3A_2] : memref<65536xi32, #tpu.memory_space<hbm>> -> memref<1024xi32, #tpu.memory_space<hbm>>
    %dma_wait3A_67 = arith.constant 0 : i32
    %dma_wait3A_68 = tpu.memref_slice %arg10[%dma_wait3A_67] : memref<2048xi32, #tpu.memory_space<vmem>> -> memref<1024xi32, #tpu.memory_space<vmem>>
    tpu.wait_dma2 semaphore(%arg12 : memref<!tpu.dma_semaphore, #tpu.memory_space<semaphore_mem>>) src(%dma_wait3A_68 : memref<1024xi32, #tpu.memory_space<vmem>>) dst(%dma_wait3A_66 : memref<1024xi32, #tpu.memory_space<hbm>>)
    %add3A_69 = arith.constant 1024 : i32
    %add3A_70 = arith.addi %mul3A_2, %add3A_69 : i32
    "tpu.region"() ({
      %run_scoped3A = tpu.sem_alloc : memref<!tpu.dma_semaphore, #tpu.memory_space<semaphore_mem>>
      %dma_start3A_71 = arith.constant 1024 : i32
      %dma_start3A_72 = tpu.memref_slice %arg10[%dma_start3A_71] : memref<2048xi32, #tpu.memory_space<vmem>> -> memref<1024xi32, #tpu.memory_space<vmem>>
      %dma_start3A_73 = tpu.memref_slice %arg4[%add3A_70] : memref<65536xi32, #tpu.memory_space<hbm>> -> memref<1024xi32, #tpu.memory_space<hbm>>
      %dma_start3A_74 = tpu.memref_slice %arg4[%add3A_70] : memref<65536xi32, #tpu.memory_space<hbm>> -> memref<1024xi32, #tpu.memory_space<hbm>>
      %dma_start3A_75 = arith.constant 1024 : i32
      %dma_start3A_76 = tpu.memref_slice %arg10[%dma_start3A_75] : memref<2048xi32, #tpu.memory_space<vmem>> -> memref<1024xi32, #tpu.memory_space<vmem>>
      tpu.enqueue_dma source(%dma_start3A_76 : memref<1024xi32, #tpu.memory_space<vmem>>) target(%dma_start3A_74 : memref<1024xi32, #tpu.memory_space<hbm>>) target_semaphore(%run_scoped3A : memref<!tpu.dma_semaphore, #tpu.memory_space<semaphore_mem>>)
      %dma_wait3A_77 = arith.constant 1024 : i32
      %dma_wait3A_78 = tpu.memref_slice %arg10[%dma_wait3A_77] : memref<2048xi32, #tpu.memory_space<vmem>> -> memref<1024xi32, #tpu.memory_space<vmem>>
      %dma_wait3A_79 = tpu.memref_slice %arg4[%add3A_70] : memref<65536xi32, #tpu.memory_space<hbm>> -> memref<1024xi32, #tpu.memory_space<hbm>>
      %dma_wait3A_80 = tpu.memref_slice %arg4[%add3A_70] : memref<65536xi32, #tpu.memory_space<hbm>> -> memref<1024xi32, #tpu.memory_space<hbm>>
      %dma_wait3A_81 = arith.constant 1024 : i32
      %dma_wait3A_82 = tpu.memref_slice %arg10[%dma_wait3A_81] : memref<2048xi32, #tpu.memory_space<vmem>> -> memref<1024xi32, #tpu.memory_space<vmem>>
      tpu.wait_dma2 semaphore(%run_scoped3A : memref<!tpu.dma_semaphore, #tpu.memory_space<semaphore_mem>>) src(%dma_wait3A_82 : memref<1024xi32, #tpu.memory_space<vmem>>) dst(%dma_wait3A_80 : memref<1024xi32, #tpu.memory_space<hbm>>)
      tpu.yield
    }) : () -> ()
    return
  }
}

</mosaic_0001>

<sc_bundles>
// kernel: kernel.3.cloned.1.call-start
scs
__scs_entry_jumppad:
0x0: {  	(pc) =	sbr.rel $0x88, $3  }
0x1: {  	(tag) =	ssettag $0x0;
	lr =	simm.s32 $0x1  }
0x2: {  	[smem:$0x3F9F] =	sst lr;
	_ =	strace $0xD0000000  }
0x3: {  	_ = 	snop  }
0x4: {  	_ = 	snop  }
0x5: {  	_ = 	snop  }
0x6: {  	_ = 	snop  }
0x7: {  	_ = 	snop  }
__scs_overlays_trampoline_lowered:
0x8: {  	[smem:$0x3FAE] =	sst s0  }
0x9: {  	[smem:$0x3FAF] =	sst s1  }
0xa: {  	[smem:$0x3FB0] =	sst s2  }
0xb: {  	[smem:$0x3FB1] =	sst s3  }
0xc: {  	[smem:$0x3FB2] =	sst s4  }
0xd: {  	[smem:$0x3FB3] =	sst s5  }
0xe: {  	[smem:$0x3FB4] =	sst s6  }
0xf: {  	[smem:$0x3FB5] =	sst s7  }
0x10: {  	[smem:$0x3FB6] =	sst s8  }
0x11: {  	[smem:$0x3FB7] =	sst s9;
	s0 =	simm.s32 @!p0 $0x0  }
0x12: {  	s1 =	sld [smem:$0x3F9D];
	s0 =	simm.s32 @p0 $0x1  }
0x13: {  	[smem:$0x3FB8] =	sst s0;
	s0 =	simm.s32 @!p1 $0x0  }
0x14: {  	s2 =	sld [smem:$0x3F9C];
	s0 =	simm.s32 @p1 $0x1  }
0x15: {  	[smem:$0x3FB9] =	sst s0;
	s0 =	simm.s32 @!p2 $0x0  }
0x16: {  	s3 =	sld [smem:$0x3FDB];
	s0 =	simm.s32 @p2 $0x1  }
0x17: {  	s4 =	simm.s32 $0x1BF5;
	[smem:$0x3FBB] =	sst s0  }
0x18: {  	s0 =	sld [smem:$0x3F9E];
	_ =	swait.ge [sflag:s4], $0x0  }
0x19: {  	s7 =	sld [smem:$0x3F9F]  }
0x1a: {  	s8 =	sadd.s32 $0xFFFFE003, lr  }
0x1b: {  	s9 =	sadd.s32 $0xFFFFFEF7, lr;
	s5 =	simm.s32 $0xFFFFFFFF;
	p2 =	slt.u32 s8, $0xFFFFF086  }
0x1c: {  	p1 =	slt.u32 s9, $0xF7A;
	s5 =	simm.s32 @!p2 $0x0  }
0x1d: {  	s5 =	simm.s32 @p1 $0x1;
	p0 =	seq.s32 s7, s2  }
0x1e: {  	s7 =	smul.u32 @!p0 $0xF7A, s2;
	p2 =	seq.s32 @!p0 s5, $0x0  }
0x1f: {  	s9 =	smul.u32 $0xF7A, s1;
	s8 =	simm.s32 @!p0 $0x1BF5;
	p2 =	por !p2, p0  }
0x20: {  	[sflag:s8] =	ssyncset.s32 @!p0 $0xFFFFF086;
	s6 =	sadd.s32 @!p0 s3, s7;
	s7 =	simm.s32 @!p0 $0x108  }
0x21: {  	s3 =	sadd.s32 s3, s9;
	s6 =	sadd.s32 @!p0 $0x88, s6;
	s7 =	simm.s32 @p2 $0x1082  }
0x22: {  	[simem:s7], [sflag:s8] =	dma.local @!p0 [hbm:s6], $0xF7A  }
0x23: {  	s9 =	sor.u32 $0xD0000000, s2;
	s6 =	simm.s32 $0x108;
	_ =	swait.ge @!p0 [sflag:s8], $0x0  }
0x24: {  	s3 =	sadd.s32 $0x88, s3;
	s6 =	simm.s32 @!p1 $0x1082;
	[sflag:s4] =	ssyncset.s32 $0xFFFFF086  }
0x25: {  	[simem:s6], [sflag:s4] =	dma.local [hbm:s3], $0xF7A  }
0x26: {  	[smem:$0x3F9F] =	sst s1;
	(tag) =	ssettag s2;
	_ =	strace s9  }
0x27: {  	s1 =	sld [smem:$0x3FAF]  }
0x28: {  	s2 =	sld [smem:$0x3FB0]  }
0x29: {  	s4 =	sld [smem:$0x3FB2]  }
0x2a: {  	p0 =	seq.s32 s5, $0x0;
	s5 =	sld [smem:$0x3FB3]  }
0x2b: {  	s6 =	sld [smem:$0x3FB4]  }
0x2c: {  	s7 =	sld [smem:$0x3FB5]  }
0x2d: {  	s3 =	simm.s32 $0x108;
	s8 =	sld [smem:$0x3FB6]  }
0x2e: {  	s3 =	simm.s32 @!p0 $0x1082;
	s9 =	sld [smem:$0x3FB7]  }
0x2f: {  	lr =	sadd.s32 s0, s3;
	s0 =	sld [smem:$0x3FAE]  }
0x30: {  	s3 =	sld [smem:$0x3FB1]  }
0x31: {  	[smem:$0x3FBA] =	sst s10  }
0x32: {  	s10 =	sld [smem:$0x3FB8];
	_ =	sdelay $0x3  }
0x33: {  	p0 =	seq.s32 s10, $0x1;
	s10 =	sld [smem:$0x3FBA];
	_ =	sdelay $0x3  }
0x34: {  	[smem:$0x3FBA] =	sst s10  }
0x35: {  	s10 =	sld [smem:$0x3FB9];
	_ =	sdelay $0x3  }
0x36: {  	p1 =	seq.s32 s10, $0x1;
	s10 =	sld [smem:$0x3FBA];
	_ =	sdelay $0x3  }
0x37: {  	[smem:$0x3FBA] =	sst s10  }
0x38: {  	s10 =	sld [smem:$0x3FBB]  }
0x39: {  	_ = 	snop;
	(pc) =	sbr.ind lr, $3  }
0x3a: {  	_ = 	snop  }
0x3b: {  	_ = 	snop  }
0x3c: {  	p2 =	seq.s32 s10, $0x1;
	s10 =	sld [smem:$0x3FBA]  }
0x3d: {  	_ =	shalt  }
0x3e: {  	_ =	shalt  }
0x3f: {  	_ =	shalt  }
0x40: {  	_ =	shalt  }
0x41: {  	_ =	shalt  }
0x42: {  	_ =	shalt  }
0x43: {  	_ =	shalt  }
0x44: {  	_ =	shalt  }
0x45: {  	_ =	shalt  }
0x46: {  	_ =	shalt  }
0x47: {  	_ =	shalt  }
0x48: {  	_ =	shalt  }
0x49: {  	_ =	shalt  }
0x4a: {  	_ =	shalt  }
0x4b: {  	_ =	shalt  }
0x4c: {  	_ =	shalt  }
0x4d: {  	_ =	shalt  }
0x4e: {  	_ =	shalt  }
0x4f: {  	_ =	shalt  }
0x50: {  	_ =	shalt  }
0x51: {  	_ =	shalt  }
0x52: {  	_ =	shalt  }
0x53: {  	_ =	shalt  }
0x54: {  	_ =	shalt  }
0x55: {  	_ =	shalt  }
0x56: {  	_ =	shalt  }
0x57: {  	_ =	shalt  }
0x58: {  	_ =	shalt  }
0x59: {  	_ =	shalt  }
0x5a: {  	_ =	shalt  }
0x5b: {  	_ =	shalt  }
0x5c: {  	_ =	shalt  }
0x5d: {  	_ =	shalt  }
0x5e: {  	_ =	shalt  }
0x5f: {  	_ =	shalt  }
0x60: {  	_ =	shalt  }
0x61: {  	_ =	shalt  }
0x62: {  	_ =	shalt  }
0x63: {  	_ =	shalt  }
0x64: {  	_ =	shalt  }
0x65: {  	_ =	shalt  }
0x66: {  	_ =	shalt  }
0x67: {  	_ =	shalt  }
0x68: {  	_ =	shalt  }
0x69: {  	_ =	shalt  }
0x6a: {  	_ =	shalt  }
0x6b: {  	_ =	shalt  }
0x6c: {  	_ =	shalt  }
0x6d: {  	_ =	shalt  }
0x6e: {  	_ =	shalt  }
0x6f: {  	_ =	shalt  }
0x70: {  	_ =	shalt  }
0x71: {  	_ =	shalt  }
0x72: {  	_ =	shalt  }
0x73: {  	_ =	shalt  }
0x74: {  	_ =	shalt  }
0x75: {  	_ =	shalt  }
0x76: {  	_ =	shalt  }
0x77: {  	_ =	shalt  }
0x78: {  	_ =	shalt  }
0x79: {  	_ =	shalt  }
0x7a: {  	_ =	shalt  }
0x7b: {  	_ =	shalt  }
0x7c: {  	_ =	shalt  }
0x7d: {  	_ =	shalt  }
0x7e: {  	_ =	shalt  }
0x7f: {  	_ =	shalt  }
0x80: {  	_ =	shalt  }
0x81: {  	_ =	shalt  }
0x82: {  	_ =	shalt  }
0x83: {  	_ =	shalt  }
0x84: {  	_ =	shalt  }
0x85: {  	_ =	shalt  }
0x86: {  	_ =	shalt  }
0x87: {  	_ =	shalt  }
.Lfunc_end0:
.L_simem_size_0:
called_computation_lowered:
.L_overlay_start_0:
0x88: {  	s2 =	sld [smem:$0x3FD9]  }
0x89: {  	s3 =	sld [smem:$0x3FFE];
	_ =	sdelay $0x1  }
0x8a: {  	s1 =	srdreg.scid  }
0x8b: {  	s0 =	sand.u32 $0x1, s1  }
0x8c: {  	s18 =	sshll.u32 s0, $0xA;
	s2 =	sadd.s32 s3, s2  }
0x8d: {  	s2 =	sadd.s32 s2, s18  }
0x8e: {  	[smem:$0x3FC6] =	sst s2  }
0x8f: {  	_ = 	snop  }
0x90: {  	s2 =	sld [smem:$0x3FC9]  }
0x91: {  	s19 =	sld [smem:$0x3FC8]  }
0x92: {  	s4 =	sld [smem:$0x3FD0];
	(tm) =	ssettm $0x1  }
0x93: {  	s5 =	sld [smem:$0x3FFB];
	_ =	sdelay $0x3  }
0x94: {  	_ =	strace s5  }
0x95: {  	s5 =	sld [smem:$0x3FFC];
	_ =	sdelay $0x3  }
0x96: {  	_ =	strace s5  }
0x97: {  	s5 =	sld [smem:$0x3FFD];
	_ =	sdelay $0x3  }
0x98: {  	_ =	strace s5  }
0x99: {  	_ =	strace $0x8FFFFFFF  }
0x9a: {  	s20 =	sld [smem:$0x3FDB];
	_ =	sdelay $0x1  }
0x9b: {  	s6 =	simm.s32 $_scs_section_size  }
0x9c: {  	s7 =	simm.s32 $_size__tile_overlayer_lowered;
	s8 =	simm.s32 $_tile_overlayer_lowered  }
0x9d: {  	s23 =	simm.s32 $0x1BFF;
	s22 =	sshll.u32 s8, $0x1;
	s5 =	sadd.s32 s6, s20  }
0x9e: {  	s9 =	simm.s32 $0x0;
	s21 =	sshll.u32 s7, $0x1;
	s7 =	sadd.s32 s22, s5  }
0x9f: {  	[timem:s9], [sflag:s23] =	dma.local [hbm:s7], s21  }
0xa0: {  	_ =	swait.ge [sflag:s23], s21  }
0xa1: {  	s6 =	ssub.s32 $0x0, s21;
	[sflag:s23] =	ssyncset.done $0x0  }
0xa2: {  	[sflag:s23] =	ssyncadd.s32 s6;
	_ =	sdelay $0x1  }
0xa3: {  	s24 =	simm.s32 $0x1B8B  }
0xa4: {  	_ =	swait.ge [sflag:s24], $0x1  }
0xa5: {  	[sflag:s24] =	ssyncset.done $0x0  }
0xa6: {  	s25 =	simm.s32 $0x1B8E;
	[sflag:s24] =	ssyncadd.s32 $0xFFFFFFFF  }
0xa7: {  	s26 =	simm.s32 $execute0_lowered;
	[smem:$0x3FD2] =	sst s25  }
0xa8: {  	s6 =	sshll.u32 s26, $0x1;
	_ =	strace $0x80000046;
	[dreg:$0x1] =	wrdreg $0xFFFFFFFF  }
0xa9: {  	s28 =	simm.s32 $_size_execute0_lowered;
	s5 =	sadd.s32 s5, s6;
	[dreg:$0x0] =	wrdreg $0x0  }
0xaa: {  	s6 =	sshll.u32 s28, $0x1;
	[dreg:$0x2] =	wrdreg s5  }
0xab: {  	[dreg:$0x3] =	wrdreg s6  }
0xac: {  	[dreg:$0x4] =	wrdreg $0xC0  }
0xad: {  	_ =	task [dreg:s9], $0x5FFFF  }
0xae: {  	[dreg:$0x1] =	wrdreg $0xFFFFFFFF  }
0xaf: {  	[dreg:$0x0] =	wrdreg $0x60  }
0xb0: {  	[dreg:$0x2] =	wrdreg s2  }
0xb1: {  	[dreg:$0x3] =	wrdreg s19  }
0xb2: {  	[dreg:$0x4] =	wrdreg s4  }
0xb3: {  	[dreg:$0x5] =	wrdreg $0x2000  }
0xb4: {  	[dreg:$0x6] =	wrdreg $0x9  }
0xb5: {  	_ =	task.clear_ibuf [dreg:s9], $0x7FFFF;
	_ =	strace $0x90000046  }
0xb6: {  	s29 =	simm.s32 $0x9;
	_ =	strace $0x80000048  }
0xb7: {  	_ =	swait.ge [sflag:s29], $0x1  }
0xb8: {  	[sflag:s29] =	ssyncadd.s32 $0xFFFFFFFF  }
0xb9: {  	_ =	strace $0x90000048  }
0xba: {  	_ =	sfence  }
0xbb: {  	s30 =	sld [smem:$0x0];
	_ =	sdelay $0x2  }
0xbc: {  	s31 =	sshll.u32 s1, $0xD;
	s1 =	sshrl.u32 s1, $0x2  }
0xbd: {  	s3 =	sand.u32 $0x4000, s31;
	s1 =	sadd.s32 s1, s30  }
0xbe: {  	s0 =	sor.u32 s3, s0;
	s1 =	sshll.u32 s1, $0x11  }
0xbf: {  	s0 =	sor.u32 s1, s0  }
0xc0: {  	s0 =	sadd.s32 $0x8F2B, s0  }
0xc1: {  	[sflag:s0] =	ssyncadd.remote.s32 $0x1  }
0xc2: {  	_ =	sfence.sel $0xFFFF  }
0xc3: {  	[dreg:$0x0] =	wrdreg $0xFFFFFFFF;
	(pc) =	sbr.abs _section_cstart, $3  }
0xc4: {  	[dreg:$0x1] =	wrdreg $0xFFFFFFFF  }
0xc5: {  	_ =	task.clear_ibuf [dreg:s9], $0x2FFFF;
	_ =	strace $0x9FFFFFFF  }
0xc6: {  	(tm) =	ssettm $0x7FFFFFFF  }
0xc7: {  	_ =	shalt  }
tec
execute0_lowered:
.L_overlay_start_1:
0x0: {  	(tag) =	ssettag $0x1  }
0x1: {  	s4 =	rddreg [dreg:$0x0]  }
0x2: {  	s5 =	rddreg [dreg:$0x1]  }
0x3: {  	s6 =	rddreg [dreg:$0x2]  }
0x4: {  	s1 =	rddreg [dreg:$0x3];
	s2 =	srdreg.scid  }
0x5: {  	s0 =	rddreg [dreg:$0x4];
	s3 =	simm.s32 $0x0;
	s7 =	sand.u32 $0x1, s2  }
0x6: {  	[smem:$0x7FF] =	sst s3;
	s2 =	stileid.u32;
	s8 =	ssub.s32 $0x2, s7  }
0x7: {  	s10 =	sshll.u32 s2, $0x9;
	s7 =	sshll.u32 s7, $0x8;
	_ =	strace $0x80000047  }
0x8: {  	s29 =	sshll.u32 s2, $0x8;
	s30 =	sshll.u32 s2, $0x5;
	s9 =	sshrl.u32 s8, $0x1  }
0x9: {  	s7 =	sor.u32 s7, s10;
	s5 =	sadd.s32 s5, s30;
	s31 =	sor.u32 $0x10, s29  }
0xa: {  	s11 =	sor.u32 $0x20, s29;
	s12 =	sor.u32 $0x30, s29;
	s13 =	sor.u32 $0x40, s29  }
0xb: {  	s14 =	sor.u32 $0x50, s29;
	s15 =	sor.u32 $0x60, s29;
	s16 =	sor.u32 $0x70, s29  }
0xc: {  	s17 =	sor.u32 $0x80, s29;
	s18 =	sor.u32 $0x90, s29;
	s19 =	sor.u32 $0xA0, s29  }
0xd: {  	v15 =	vlaneseq.u32;
	s20 =	sor.u32 $0xB0, s29;
	s21 =	sor.u32 $0xC0, s29;
	s22 =	sor.u32 $0xD0, s29  }
0xe: {  	v1 =	vor.u32 s29, v15;
	s23 =	sor.u32 $0xE0, s29;
	s24 =	sor.u32 $0xF0, s29;
	s10 =	simm.s32 $0x1  }
0xf: {  	s8 =	ssub.s32 s8, s9;
	s4 =	sadd.s32 s4, s7;
	v0 =	vor.u32 s31, v15;
	s6 =	sadd.s32 s6, s7;
	v2 =	vor.u32 s11, v15;
	v3 =	vor.u32 s12, v15  }
0x10: {  	v4 =	vor.u32 s13, v15;
	v5 =	vor.u32 s14, v15;
	v6 =	vor.u32 s15, v15;
	s9 =	simm.s32 $0x1300;
	s11 =	simm.s32 $0x80;
	s12 =	simm.s32 $0x100  }
0x11: {  	v7 =	vor.u32 s16, v15;
	v8 =	vor.u32 s17, v15;
	v9 =	vor.u32 s18, v15;
	s13 =	simm.s32 $0x180;
	s14 =	simm.s32 $0x300;
	s15 =	simm.s32 $0x2  }
0x12: {  	v10 =	vor.u32 s19, v15;
	v11 =	vor.u32 s20, v15;
	v12 =	vor.u32 s21, v15;
	s16 =	simm.s32 $0x1B00;
	s17 =	simm.s32 $0x1F00;
	s18 =	simm.s32 $0x3  }
0x13: {  	v13 =	vor.u32 s22, v15;
	v14 =	vor.u32 s23, v15;
	v15 =	vor.u32 s24, v15;
	s19 =	simm.s32 $0x0;
	s7 =	sadd.s32 $0x80, s6;
	s8 =	smax.u32 s8, $0x1  }
.LBB2_1:
0x14: {  	[tilespmem:s9], [sflag:$0x2] =	stream.linear.gather [hbm4b:s4+s3], $0x800, $0x38;
	[tilespmem:$0x2300] =	vst v63  }
0x15: {  	_ = 	snop  }
0x16: {  	[tilespmem:s3], [sflag:$0x1] =	stream.linear.gather [hbm4b:s5+s3], $0x100, $0x38;
	[tilespmem:$0x2300] =	vst v63  }
0x17: {  	[tilespmem:$0x100] =	vst v1  }
0x18: {  	[tilespmem:$0x110] =	vst v0  }
0x19: {  	[tilespmem:$0x120] =	vst v2  }
0x1a: {  	[tilespmem:$0x130] =	vst v3  }
0x1b: {  	[tilespmem:$0x140] =	vst v4  }
0x1c: {  	[tilespmem:$0x150] =	vst v5  }
0x1d: {  	[tilespmem:$0x160] =	vst v6  }
0x1e: {  	[tilespmem:$0x170] =	vst v7  }
0x1f: {  	[tilespmem:$0x180] =	vst v8  }
0x20: {  	[tilespmem:$0x190] =	vst v9  }
0x21: {  	[tilespmem:$0x1A0] =	vst v10  }
0x22: {  	[tilespmem:$0x1B0] =	vst v11  }
0x23: {  	[tilespmem:$0x1C0] =	vst v12  }
0x24: {  	[tilespmem:$0x1D0] =	vst v13  }
0x25: {  	[tilespmem:$0x1E0] =	vst v14  }
0x26: {  	[tilespmem:$0x1F0] =	vst v15  }
0x27: {  	_ =	swait.ge [sflag:s10], $0x100  }
0x28: {  	[sflag:s10] =	ssyncset.done $0x0  }
0x29: {  	[sflag:s10] =	ssyncadd.s32 $0xFFFFFF00  }
0x2a: {  	[spmem:s1] =	stream.indirect.scatter [tilespmem:s12], [sflag:$0x1], $0x1, s3, s11, $0xb8;
	[tilespmem:$0x2300] =	vst v63  }
0x2b: {  	_ = 	snop  }
0x2c: {  	[spmem:s1] =	stream.indirect.scatter [tilespmem:s13], [sflag:$0x1], $0x1, s11, s11, $0xb8;
	[tilespmem:$0x2300] =	vst v63  }
0x2d: {  	_ =	swait.ge [sflag:s10], $0x80  }
0x2e: {  	[sflag:s10] =	ssyncset.done $0x0  }
0x2f: {  	[sflag:s10] =	ssyncadd.s32 $0xFFFFFF80  }
0x30: {  	_ =	swait.ge [sflag:s10], $0x80  }
0x31: {  	[sflag:s10] =	ssyncset.done $0x0  }
0x32: {  	[sflag:s10] =	ssyncadd.s32 $0xFFFFFF80  }
0x33: {  	[bflag:$0x0] =	sbarrier.arrive $0xFFFF  }
0x34: {  	[tilespmem:s14], [sflag:$0x1] =	stream.linear.gather [spmem:s1], $0x1000, $0x38;
	[tilespmem:$0x2300] =	vst v63  }
0x35: {  	_ =	swait.ge [sflag:s15], $0x800  }
0x36: {  	[sflag:s15] =	ssyncset.done $0x0  }
0x37: {  	[sflag:s15] =	ssyncadd.s32 $0xFFFFF800  }
0x38: {  	_ =	swait.ge [sflag:s10], $0x1000  }
0x39: {  	[sflag:s10] =	ssyncset.done $0x0  }
0x3a: {  	s20 =	simm.s32 $0x1340;
	[sflag:s10] =	ssyncadd.s32 $0xFFFFF000  }
0x3b: {  	v16 =	vld [tilespmem:s20+$0x30]  }
0x3c: {  	v17 =	vld [tilespmem:s20+$0xFFFFFFD0]  }
0x3d: {  	v18 =	vld [tilespmem:s20+$0xFFFFFFE0]  }
0x3e: {  	v19 =	vld [tilespmem:s20+$0xFFFFFFF0]  }
0x3f: {  	v20 =	vld [tilespmem:s20+$0x0]  }
0x40: {  	v22 =	vld [tilespmem:s20+$0x10]  }
0x41: {  	v23 =	vld [tilespmem:s20+$0x20]  }
0x42: {  	v24 =	vld [tilespmem:s20+$0xFFFFFFC0]  }
0x43: {  	v25 =	vld.idx.msk [tilespmem:v16+s14+$0x0], $0xffff  }
0x44: {  	v26 =	vld.idx.msk [tilespmem:v17+s14+$0x0], $0xffff  }
0x45: {  	v21 =	vld.idx.msk [tilespmem:v18+s14+$0x0], $0xffff  }
0x46: {  	v19 =	vld.idx.msk [tilespmem:v19+s14+$0x0], $0xffff  }
0x47: {  	v16 =	vld.idx.msk [tilespmem:v20+s14+$0x0], $0xffff  }
0x48: {  	s20 =	simm.s32 $0x1B40;
	v17 =	vld.idx.msk [tilespmem:v22+s14+$0x0], $0xffff  }
0x49: {  	v18 =	vld.idx.msk [tilespmem:v23+s14+$0x0], $0xffff;
	[tilespmem:s20+$0x30] =	vst v25  }
0x4a: {  	s21 =	simm.s32 $0x0;
	s22 =	simm.s32 $0x13C0;
	v20 =	vld.idx.msk [tilespmem:v24+s14+$0x0], $0xffff;
	[tilespmem:s20+$0xFFFFFFD0] =	vst v26  }
.LBB2_2:
0x4b: {  	v22 =	vld [tilespmem:s22+$0x30];
	s21 =	sadd.s32 $0x8, s21;
	[tilespmem:s20+$0xFFFFFFE0] =	vst v21  }
0x4c: {  	v21 =	vld [tilespmem:s22+$0xFFFFFFD0];
	p0 =	slt.u32 s21, $0x38;
	[tilespmem:s20+$0xFFFFFFF0] =	vst v19  }
0x4d: {  	v19 =	vld [tilespmem:s22+$0xFFFFFFE0];
	[tilespmem:s20+$0x0] =	vst v16  }
0x4e: {  	v16 =	vld [tilespmem:s22+$0xFFFFFFF0];
	[tilespmem:s20+$0x10] =	vst v17  }
0x4f: {  	v17 =	vld [tilespmem:s22+$0x0];
	[tilespmem:s20+$0x20] =	vst v18  }
0x50: {  	v18 =	vld [tilespmem:s22+$0x10];
	[tilespmem:s20+$0xFFFFFFC0] =	vst v20  }
0x51: {  	v20 =	vld [tilespmem:s22+$0x20]  }
0x52: {  	v23 =	vld [tilespmem:s22+$0xFFFFFFC0]  }
0x53: {  	v22 =	vld.idx.msk [tilespmem:v22+s14+$0x0], $0xffff  }
0x54: {  	v24 =	vld.idx.msk [tilespmem:v21+s14+$0x0], $0xffff  }
0x55: {  	v21 =	vld.idx.msk [tilespmem:v19+s14+$0x0], $0xffff  }
.Ltmp0:
0x56: {  	v19 =	vld.idx.msk [tilespmem:v16+s14+$0x0], $0xffff;
	(pc) =	sbr.rel @p0 .LBB2_2-.Ltmp0, $4  }
0x57: {  	v16 =	vld.idx.msk [tilespmem:v17+s14+$0x0], $0xffff  }
0x58: {  	s20 =	sadd.s32 $0x80, s20;
	v17 =	vld.idx.msk [tilespmem:v18+s14+$0x0], $0xffff  }
0x59: {  	v18 =	vld.idx.msk [tilespmem:v20+s14+$0x0], $0xffff;
	[tilespmem:s20+$0x30] =	vst v22  }
0x5a: {  	s22 =	sadd.s32 $0x80, s22;
	v20 =	vld.idx.msk [tilespmem:v23+s14+$0x0], $0xffff;
	[tilespmem:s20+$0xFFFFFFD0] =	vst v24  }
0x5b: {  	[tilespmem:s20+$0xFFFFFFE0] =	vst v21  }
0x5c: {  	[tilespmem:s20+$0xFFFFFFF0] =	vst v19  }
0x5d: {  	[tilespmem:s20+$0x0] =	vst v16  }
0x5e: {  	[tilespmem:s20+$0x10] =	vst v17  }
0x5f: {  	[tilespmem:s20+$0x20] =	vst v18  }
0x60: {  	s31 =	simm.s32 $0x1770;
	[tilespmem:s20+$0xFFFFFFC0] =	vst v20  }
0x61: {  	[hbm4b:s6+s3] =	stream.linear.scatter [tilespmem:s16], [sflag:$0x2], $0x400, $0x38;
	[tilespmem:$0x2300] =	vst v63  }
0x62: {  	v16 =	vld [tilespmem:s31+$0x0]  }
0x63: {  	v17 =	vld [tilespmem:s31+$0xFFFFFFA0]  }
0x64: {  	v18 =	vld [tilespmem:s31+$0xFFFFFFB0]  }
0x65: {  	v19 =	vld [tilespmem:s31+$0xFFFFFFC0]  }
0x66: {  	v20 =	vld [tilespmem:s31+$0xFFFFFFD0]  }
0x67: {  	v22 =	vld [tilespmem:s31+$0xFFFFFFE0]  }
0x68: {  	v23 =	vld [tilespmem:s31+$0xFFFFFFF0]  }
0x69: {  	v24 =	vld [tilespmem:s31+$0xFFFFFF90]  }
0x6a: {  	v25 =	vld.idx.msk [tilespmem:v16+s14+$0x0], $0xffff  }
0x6b: {  	v26 =	vld.idx.msk [tilespmem:v17+s14+$0x0], $0xffff  }
0x6c: {  	v21 =	vld.idx.msk [tilespmem:v18+s14+$0x0], $0xffff  }
0x6d: {  	v19 =	vld.idx.msk [tilespmem:v19+s14+$0x0], $0xffff  }
0x6e: {  	v16 =	vld.idx.msk [tilespmem:v20+s14+$0x0], $0xffff  }
0x6f: {  	s20 =	simm.s32 $0x1F70;
	v17 =	vld.idx.msk [tilespmem:v22+s14+$0x0], $0xffff  }
0x70: {  	v18 =	vld.idx.msk [tilespmem:v23+s14+$0x0], $0xffff;
	[tilespmem:s20+$0x0] =	vst v25  }
0x71: {  	s21 =	simm.s32 $0x40;
	s22 =	simm.s32 $0x17F0;
	v20 =	vld.idx.msk [tilespmem:v24+s14+$0x0], $0xffff;
	[tilespmem:s20+$0xFFFFFFA0] =	vst v26  }
.LBB2_4:
0x72: {  	v22 =	vld [tilespmem:s22+$0x0];
	s21 =	sadd.s32 $0x8, s21;
	[tilespmem:s20+$0xFFFFFFB0] =	vst v21  }
0x73: {  	v21 =	vld [tilespmem:s22+$0xFFFFFFA0];
	p0 =	slt.u32 s21, $0x78;
	[tilespmem:s20+$0xFFFFFFC0] =	vst v19  }
0x74: {  	v19 =	vld [tilespmem:s22+$0xFFFFFFB0];
	[tilespmem:s20+$0xFFFFFFD0] =	vst v16  }
0x75: {  	v16 =	vld [tilespmem:s22+$0xFFFFFFC0];
	[tilespmem:s20+$0xFFFFFFE0] =	vst v17  }
0x76: {  	v17 =	vld [tilespmem:s22+$0xFFFFFFD0];
	[tilespmem:s20+$0xFFFFFFF0] =	vst v18  }
0x77: {  	v18 =	vld [tilespmem:s22+$0xFFFFFFE0];
	[tilespmem:s20+$0xFFFFFF90] =	vst v20  }
0x78: {  	v20 =	vld [tilespmem:s22+$0xFFFFFFF0]  }
0x79: {  	v23 =	vld [tilespmem:s22+$0xFFFFFF90]  }
0x7a: {  	v22 =	vld.idx.msk [tilespmem:v22+s14+$0x0], $0xffff  }
0x7b: {  	v24 =	vld.idx.msk [tilespmem:v21+s14+$0x0], $0xffff  }
0x7c: {  	v21 =	vld.idx.msk [tilespmem:v19+s14+$0x0], $0xffff  }
.Ltmp1:
0x7d: {  	v19 =	vld.idx.msk [tilespmem:v16+s14+$0x0], $0xffff;
	(pc) =	sbr.rel @p0 .LBB2_4-.Ltmp1, $4  }
0x7e: {  	v16 =	vld.idx.msk [tilespmem:v17+s14+$0x0], $0xffff  }
0x7f: {  	s20 =	sadd.s32 $0x80, s20;
	v17 =	vld.idx.msk [tilespmem:v18+s14+$0x0], $0xffff  }
0x80: {  	v18 =	vld.idx.msk [tilespmem:v20+s14+$0x0], $0xffff;
	[tilespmem:s20+$0x0] =	vst v22  }
0x81: {  	s22 =	sadd.s32 $0x80, s22;
	v20 =	vld.idx.msk [tilespmem:v23+s14+$0x0], $0xffff;
	[tilespmem:s20+$0xFFFFFFA0] =	vst v24  }
0x82: {  	[tilespmem:s20+$0xFFFFFFB0] =	vst v21  }
0x83: {  	[tilespmem:s20+$0xFFFFFFC0] =	vst v19  }
0x84: {  	[tilespmem:s20+$0xFFFFFFD0] =	vst v16  }
0x85: {  	[tilespmem:s20+$0xFFFFFFE0] =	vst v17  }
0x86: {  	[tilespmem:s20+$0xFFFFFFF0] =	vst v18  }
0x87: {  	[tilespmem:s20+$0xFFFFFF90] =	vst v20  }
0x88: {  	s19 =	sadd.s32 $0x1, s19;
	_ =	swait.ge [sflag:s15], $0x400  }
0x89: {  	p0 =	sne.s32 s19, s8;
	[sflag:s15] =	ssyncset.done $0x0  }
.Ltmp2:
0x8a: {  	[sflag:s15] =	ssyncadd.s32 $0xFFFFFC00;
	(pc) =	sbr.rel @p0 .LBB2_1-.Ltmp2, $4  }
0x8b: {  	[hbm4b:s7+s3] =	stream.linear.scatter [tilespmem:s17], [sflag:$0x3], $0x400, $0x38;
	[tilespmem:$0x2300] =	vst v63  }
0x8c: {  	_ =	swait.ge [sflag:s18], $0x400  }
0x8d: {  	[sflag:s18] =	ssyncset.done $0x0  }
0x8e: {  	[sflag:s18] =	ssyncadd.s32 $0xFFFFFC00  }
0x8f: {  	_ =	sfence.sel $0x180000  }
0x90: {  	[bflag:$0x0] =	sbarrier.arrive $0xFFFF  }
0x91: {  	p0 =	sne.s32 s2, $0x0;
	_ =	strace $0x90000047  }
0x92: {  	s0 =	sadd.s32 @!p0 $0x100000, s0;
	[bflag:$0x2] =	sbarrier.arrive $0xFFFF  }
0x93: {  	[sflag:s0] =	ssyncadd.tile.s32 @!p0 $0x1;
	_ =	shalt  }
.Lfunc_end2:
_tile_overlayer_lowered:
.L_overlay_start_2:
0x94: {  	(tag) =	ssettag $0x2  }
0x95: {  	s0 =	rddreg [dreg:$0x0];
	s2 =	stileid.u32  }
0x96: {  	s1 =	rddreg [dreg:$0x1];
	p0 =	sne.s32 s2, $0x0  }
0x97: {  	s3 =	rddreg [dreg:$0x2];
	[bflag:$0x3] =	sbarrier.arrive $0xFFFF;
	s2 =	simm.s32 @!p0 $0x1C03  }
0x98: {  	[timem:s3], [sflag:s2] =	dma.local @!p0 [hbm:s0], s1  }
0x99: {  	s0 =	simm.s32 @!p0 $0x3  }
0x9a: {  	_ =	swait.ge @!p0 [sflag:s0], s1  }
0x9b: {  	s1 =	ssub.s32 @!p0 $0x0, s1;
	[sflag:s0] =	ssyncset.done @!p0 $0x0  }
0x9c: {  	[sflag:s0] =	ssyncadd.s32 @!p0 s1  }
0x9d: {  	[bflag:$0x3] =	sbarrier.arrive $0xFFFF  }
0x9e: {  	_ =	shalt  }

</sc_bundles>
